<compile_context>
chip_gen: v7x
topology: tpu7x:2x2x1
jax: 0.10.2.dev20260603
libtpu: 0.0.44.dev20260713+nightly
codegen_flags: <defaults>
</compile_context>

<pallas_src>
import functools

import jax
import jax.numpy as jnp
from jax import lax
from jax.experimental import pallas as pl
from jax.experimental.pallas import tpu as pltpu
from jax.experimental.pallas import tpu_sc as plsc

HIDDEN = 512
EPS = 1e-12
_NSLOT = 4
_SPAD = 1280
_NW = 32
_BPW = _SPAD // _NW


def _sc_gather(table_hbm, idx_hbm, out_hbm, idx_v, rows_v, sem):
    wid = lax.axis_index("s") * 2 + lax.axis_index("c")
    base = wid * _BPW
    pltpu.sync_copy(idx_hbm.at[pl.ds(base, _BPW)], idx_v)
    pltpu.async_copy(table_hbm.at[idx_v], rows_v, sem).wait()
    pltpu.sync_copy(rows_v, out_hbm.at[pl.ds(base, _BPW)])


def _tc_body(x_hbm, pos_hbm, g_ref, b_ref, out_hbm,
             x_buf, o_buf, p_buf, in_sems, out_sems, pos_sem):
    B = x_hbm.shape[0]
    S = x_hbm.shape[1]

    def in_copy(b, slot):
        return pltpu.make_async_copy(x_hbm.at[b], x_buf.at[slot],
                                     in_sems.at[slot])

    def out_copy(b, slot):
        return pltpu.make_async_copy(o_buf.at[slot], out_hbm.at[b],
                                     out_sems.at[slot])

    pos_cp = pltpu.make_async_copy(pos_hbm, p_buf, pos_sem)
    pos_cp.start()
    for b0 in range(_NSLOT):
        in_copy(b0, b0).start()
    pos_cp.wait()

    g = g_ref[...]
    bt = b_ref[...]
    p = p_buf[...][:S]

    def b_step(b, carry):
        slot = lax.rem(b, _NSLOT)
        in_copy(b, slot).wait()

        @pl.when(b >= _NSLOT)
        def _():
            out_copy(b, slot).wait()

        e = x_buf[slot] + p
        m = jnp.mean(e, axis=-1, keepdims=True)
        d = e - m
        v = jnp.mean(d * d, axis=-1, keepdims=True)
        o_buf[slot] = d * lax.rsqrt(v + EPS) * g + bt

        out_copy(b, slot).start()

        @pl.when(b + _NSLOT < B)
        def _():
            in_copy(b + _NSLOT, slot).start()
        return carry

    lax.fori_loop(0, B, b_step, 0)

    for b in range(B - _NSLOT, B):
        out_copy(b, b % _NSLOT).wait()


def kernel(inputs_embeds, position_embeddings, gamma, beta, position_ids,
           past_key_values_length):
    B, S, H = inputs_embeds.shape
    table = position_embeddings[0]

    pos_ids = lax.dynamic_slice_in_dim(
        position_ids, past_key_values_length, S, axis=0).astype(jnp.int32)
    ids_pad = jnp.concatenate(
        [pos_ids, jnp.zeros((_SPAD - S,), jnp.int32)])

    mesh = plsc.VectorSubcoreMesh(core_axis_name="c", subcore_axis_name="s")
    pos_g = functools.partial(
        pl.kernel, mesh=mesh,
        out_type=jax.ShapeDtypeStruct((_SPAD, H), jnp.float32),
        scratch_types=[
            pltpu.VMEM((_BPW,), jnp.int32),
            pltpu.VMEM((_BPW, H), jnp.float32),
            pltpu.SemaphoreType.DMA,
        ],
    )(_sc_gather)(table, ids_pad)

    g2 = gamma.reshape(1, H)
    b2 = beta.reshape(1, H)

    out = pl.pallas_call(
        _tc_body,
        in_specs=[
            pl.BlockSpec(memory_space=pl.ANY),
            pl.BlockSpec(memory_space=pl.ANY),
            pl.BlockSpec(memory_space=pltpu.VMEM),
            pl.BlockSpec(memory_space=pltpu.VMEM),
        ],
        out_specs=pl.BlockSpec(memory_space=pl.ANY),
        out_shape=jax.ShapeDtypeStruct((B, S, H), jnp.float32),
        scratch_shapes=[
            pltpu.VMEM((_NSLOT, S, H), jnp.float32),
            pltpu.VMEM((_NSLOT, S, H), jnp.float32),
            pltpu.VMEM((_SPAD, H), jnp.float32),
            pltpu.SemaphoreType.DMA((_NSLOT,)),
            pltpu.SemaphoreType.DMA((_NSLOT,)),
            pltpu.SemaphoreType.DMA,
        ],
    )(inputs_embeds, pos_g, g2, b2)
    return out

# --- scband reference (transcript-rebuilt; emitter-appended) ---
"""Pipeline reference for scband-embeddings3-d-60309930771145 (READ-ONLY COPY).

The authoritative reference and input builder live on the scoring server;
editing this copy changes nothing except your own understanding.
"""

import jax, jax.numpy as jnp
import numpy as np


def _get_1d_sincos_pos_embed_from_grid(embed_dim, pos):
    omega = np.arange(embed_dim // 2, dtype=np.float64)
    omega /= embed_dim / 2.0
    omega = 1.0 / 10000 ** omega
    pos = pos.reshape(-1)
    out = np.einsum('m,d->md', pos, omega)
    return np.concatenate([np.sin(out), np.cos(out)], axis=1)


def get_3d_sincos_pos_embed(embed_dim, grid_size, cls_token=False):
    t, h, w = grid_size
    dim_each = embed_dim // 3
    if dim_each % 2 == 1:
        dim_each -= 1
    tt, hh, ww = np.meshgrid(np.arange(t, dtype=np.float64),
                             np.arange(h, dtype=np.float64),
                             np.arange(w, dtype=np.float64), indexing='ij')
    emb_t = _get_1d_sincos_pos_embed_from_grid(dim_each, tt)
    emb_h = _get_1d_sincos_pos_embed_from_grid(dim_each, hh)
    emb_w = _get_1d_sincos_pos_embed_from_grid(dim_each, ww)
    emb = np.concatenate([emb_t, emb_h, emb_w], axis=1)
    pad = embed_dim - emb.shape[1]
    if pad > 0:
        emb = np.concatenate([emb, np.zeros((emb.shape[0], pad))], axis=1)
    if cls_token:
        emb = np.concatenate([np.zeros((1, embed_dim)), emb], axis=0)
    return emb


HIDDEN = 512
MAX_POS = 1201
BATCH = 32
SEQ = 1201


def setup_inputs(seed: int = 0) -> dict:
    key = jax.random.key(seed)
    k1, = jax.random.split(key, 1)
    inputs_embeds = jax.random.normal(k1, (BATCH, SEQ, HIDDEN), dtype=jnp.float32)
    pos_np = get_3d_sincos_pos_embed(HIDDEN, (11, 13, 11), cls_token=True)
    position_embeddings = jnp.asarray(pos_np, dtype=jnp.float32)[None, :, :]  # [1, 1574, 512]
    position_ids = jnp.arange(MAX_POS, dtype=jnp.int64 if jax.config.jax_enable_x64 else jnp.int32)
    gamma = jnp.ones((HIDDEN,), dtype=jnp.float32)
    beta = jnp.zeros((HIDDEN,), dtype=jnp.float32)
    return {
        'inputs_embeds': inputs_embeds,
        'position_embeddings': position_embeddings,
        'gamma': gamma,
        'beta': beta,
        'position_ids': position_ids,
        'past_key_values_length': 0,
    }


def _layer_norm(x, gamma, beta, eps=1e-12):
    mean = jnp.mean(x, axis=-1, keepdims=True)
    var = jnp.mean((x - mean) ** 2, axis=-1, keepdims=True)
    return (x - mean) / jnp.sqrt(var + eps) * gamma + beta


def reference(inputs_embeds, position_embeddings, gamma, beta, position_ids, past_key_values_length):
    seq_length = inputs_embeds.shape[1]
    pos_ids = jax.lax.dynamic_slice_in_dim(position_ids, past_key_values_length, seq_length, axis=0)
    position_embs = jnp.take(position_embeddings, pos_ids, axis=1)  # [1, S, H] gather
    embeddings = inputs_embeds + position_embs
    embeddings = _layer_norm(embeddings, gamma, beta, eps=1e-12)
    return embeddings

if __name__ == "__main__":
    import jax
    _d = setup_inputs()
    print(jax.jit(kernel)(*tuple(_d.values())))

</pallas_src>

<mosaic_0001>
#map = affine_map<(d0, d1) -> (0, 0)>
#map1 = affine_map<(d0, d1) -> (0)>
module attributes {stable_mosaic.version = 14 : i64} {
  func.func @_sc_gather(%arg0: i32, %arg1: i32, %arg2: memref<1574x512xf32, #tpu.memory_space<hbm>>, %arg3: memref<1280xi32, #tpu.memory_space<hbm>>, %arg4: memref<1280x512xf32, #tpu.memory_space<hbm>>, %arg5: memref<40xi32, #tpu.memory_space<vmem>>, %arg6: memref<40x512xf32, #tpu.memory_space<vmem>>, %arg7: memref<!tpu.dma_semaphore, #tpu.memory_space<semaphore_mem>>) attributes {dimension_semantics = [#tpu.dimension_semantics<core_parallel>, #tpu.dimension_semantics<subcore_parallel>], iteration_bounds = array<i64: 2, 16>, scalar_prefetch = 0 : i64, scratch_operands = 3 : i64, tpu.core_type = #tpu.core_type<sc_vector_subcore>, window_params = [{transform_indices = #map}, {transform_indices = #map1}, {transform_indices = #map}]} {
    %mul3A = arith.constant 2 : i32
    %mul3A_0 = arith.muli %arg1, %mul3A : i32
    %add3A = arith.addi %mul3A_0, %arg0 : i32
    %mul3A_1 = arith.constant 40 : i32
    %mul3A_2 = arith.muli %add3A, %mul3A_1 : i32
    "tpu.region"() ({
      %run_scoped3A = tpu.sem_alloc : memref<!tpu.dma_semaphore, #tpu.memory_space<semaphore_mem>>
      %dma_start3A_7 = tpu.memref_slice %arg3[%mul3A_2] : memref<1280xi32, #tpu.memory_space<hbm>> -> memref<40xi32, #tpu.memory_space<hbm>>
      %dma_start3A_8 = tpu.memref_slice %arg3[%mul3A_2] : memref<1280xi32, #tpu.memory_space<hbm>> -> memref<40xi32, #tpu.memory_space<hbm>>
      tpu.enqueue_dma source(%dma_start3A_8 : memref<40xi32, #tpu.memory_space<hbm>>) target(%arg5 : memref<40xi32, #tpu.memory_space<vmem>>) target_semaphore(%run_scoped3A : memref<!tpu.dma_semaphore, #tpu.memory_space<semaphore_mem>>)
      %dma_wait3A_9 = tpu.memref_slice %arg3[%mul3A_2] : memref<1280xi32, #tpu.memory_space<hbm>> -> memref<40xi32, #tpu.memory_space<hbm>>
      %dma_wait3A_10 = tpu.memref_slice %arg3[%mul3A_2] : memref<1280xi32, #tpu.memory_space<hbm>> -> memref<40xi32, #tpu.memory_space<hbm>>
      tpu.wait_dma2 semaphore(%run_scoped3A : memref<!tpu.dma_semaphore, #tpu.memory_space<semaphore_mem>>) src(%dma_wait3A_10 : memref<40xi32, #tpu.memory_space<hbm>>) dst(%arg5 : memref<40xi32, #tpu.memory_space<vmem>>)
      tpu.yield
    }) : () -> ()
    %dma_start3A = arith.constant 0 : i32
    %dma_start3A_3 = arith.constant 0 : i32
    %dma_start3A_4 = tpu.memref_slice %arg2[%dma_start3A, %dma_start3A_3] : memref<1574x512xf32, #tpu.memory_space<hbm>> -> memref<1574x512xf32, #tpu.memory_space<hbm>>
    tpu.enqueue_indirect_dma source(%dma_start3A_4 : memref<1574x512xf32, #tpu.memory_space<hbm>>) target(%arg6 : memref<40x512xf32, #tpu.memory_space<vmem>>) offsets(%arg5 : memref<40xi32, #tpu.memory_space<vmem>>) semaphore(%arg7 : memref<!tpu.dma_semaphore, #tpu.memory_space<semaphore_mem>>)
    %dma_wait3A = arith.constant 0 : i32
    %dma_wait3A_5 = arith.constant 0 : i32
    %dma_wait3A_6 = tpu.memref_slice %arg2[%dma_wait3A, %dma_wait3A_5] : memref<1574x512xf32, #tpu.memory_space<hbm>> -> memref<1574x512xf32, #tpu.memory_space<hbm>>
    tpu.wait_indirect_dma semaphore(%arg7 : memref<!tpu.dma_semaphore, #tpu.memory_space<semaphore_mem>>) src(%dma_wait3A_6 : memref<1574x512xf32, #tpu.memory_space<hbm>>) dst(%arg6 : memref<40x512xf32, #tpu.memory_space<vmem>>)
    "tpu.region"() ({
      %run_scoped3A = tpu.sem_alloc : memref<!tpu.dma_semaphore, #tpu.memory_space<semaphore_mem>>
      %dma_start3A_7 = arith.constant 0 : i32
      %dma_start3A_8 = tpu.memref_slice %arg4[%mul3A_2, %dma_start3A_7] : memref<1280x512xf32, #tpu.memory_space<hbm>> -> memref<40x512xf32, #tpu.memory_space<hbm>>
      %dma_start3A_9 = arith.constant 0 : i32
      %dma_start3A_10 = tpu.memref_slice %arg4[%mul3A_2, %dma_start3A_9] : memref<1280x512xf32, #tpu.memory_space<hbm>> -> memref<40x512xf32, #tpu.memory_space<hbm>>
      tpu.enqueue_dma source(%arg6 : memref<40x512xf32, #tpu.memory_space<vmem>>) target(%dma_start3A_10 : memref<40x512xf32, #tpu.memory_space<hbm>>) target_semaphore(%run_scoped3A : memref<!tpu.dma_semaphore, #tpu.memory_space<semaphore_mem>>)
      %dma_wait3A_11 = arith.constant 0 : i32
      %dma_wait3A_12 = tpu.memref_slice %arg4[%mul3A_2, %dma_wait3A_11] : memref<1280x512xf32, #tpu.memory_space<hbm>> -> memref<40x512xf32, #tpu.memory_space<hbm>>
      %dma_wait3A_13 = arith.constant 0 : i32
      %dma_wait3A_14 = tpu.memref_slice %arg4[%mul3A_2, %dma_wait3A_13] : memref<1280x512xf32, #tpu.memory_space<hbm>> -> memref<40x512xf32, #tpu.memory_space<hbm>>
      tpu.wait_dma2 semaphore(%run_scoped3A : memref<!tpu.dma_semaphore, #tpu.memory_space<semaphore_mem>>) src(%arg6 : memref<40x512xf32, #tpu.memory_space<vmem>>) dst(%dma_wait3A_14 : memref<40x512xf32, #tpu.memory_space<hbm>>)
      tpu.yield
    }) : () -> ()
    return
  }
}

module attributes {stable_mosaic.version = 14 : i64} {
  func.func @_tc_body(%arg0: memref<32x1201x512xf32, #tpu.memory_space<any>>, %arg1: memref<1280x512xf32, #tpu.memory_space<any>>, %arg2: memref<1x512xf32, #tpu.memory_space<vmem>>, %arg3: memref<1x512xf32, #tpu.memory_space<vmem>>, %arg4: memref<32x1201x512xf32, #tpu.memory_space<any>>, %arg5: memref<4x1201x512xf32, #tpu.memory_space<vmem>>, %arg6: memref<4x1201x512xf32, #tpu.memory_space<vmem>>, %arg7: memref<1280x512xf32, #tpu.memory_space<vmem>>, %arg8: memref<4x!tpu.dma_semaphore, #tpu.memory_space<semaphore_mem>>, %arg9: memref<4x!tpu.dma_semaphore, #tpu.memory_space<semaphore_mem>>, %arg10: memref<!tpu.dma_semaphore, #tpu.memory_space<semaphore_mem>>) attributes {dimension_semantics = [], scalar_prefetch = 0 : i64, scratch_operands = 6 : i64, tpu.core_type = #tpu.core_type<tc>} {
    tpu.enqueue_dma source(%arg1 : memref<1280x512xf32, #tpu.memory_space<any>>) target(%arg7 : memref<1280x512xf32, #tpu.memory_space<vmem>>) target_semaphore(%arg10 : memref<!tpu.dma_semaphore, #tpu.memory_space<semaphore_mem>>)
    %dma_start3A = arith.constant 0 : i32
    %dma_start3A_0 = arith.constant 0 : i32
    %dma_start3A_1 = arith.constant 0 : i32
    %dma_start3A_2 = tpu.memref_slice %arg8[%dma_start3A_1] : memref<4x!tpu.dma_semaphore, #tpu.memory_space<semaphore_mem>> -> memref<1x!tpu.dma_semaphore, #tpu.memory_space<semaphore_mem>>
    %dma_start3A_3 = tpu.memref_squeeze %dma_start3A_2 : memref<1x!tpu.dma_semaphore, #tpu.memory_space<semaphore_mem>> -> memref<!tpu.dma_semaphore, #tpu.memory_space<semaphore_mem>>
    %dma_start3A_4 = arith.constant 0 : i32
    %dma_start3A_5 = arith.constant 0 : i32
    %dma_start3A_6 = tpu.memref_slice %arg5[%dma_start3A_0, %dma_start3A_4, %dma_start3A_5] : memref<4x1201x512xf32, #tpu.memory_space<vmem>> -> memref<1x1201x512xf32, #tpu.memory_space<vmem>>
    %dma_start3A_7 = tpu.memref_squeeze %dma_start3A_6 : memref<1x1201x512xf32, #tpu.memory_space<vmem>> -> memref<1201x512xf32, #tpu.memory_space<vmem>>
    %dma_start3A_8 = arith.constant 0 : i32
    %dma_start3A_9 = arith.constant 0 : i32
    %dma_start3A_10 = tpu.memref_slice %arg0[%dma_start3A, %dma_start3A_8, %dma_start3A_9] : memref<32x1201x512xf32, #tpu.memory_space<any>> -> memref<1x1201x512xf32, #tpu.memory_space<any>>
    %dma_start3A_11 = tpu.memref_squeeze %dma_start3A_10 : memref<1x1201x512xf32, #tpu.memory_space<any>> -> memref<1201x512xf32, #tpu.memory_space<any>>
    tpu.enqueue_dma source(%dma_start3A_11 : memref<1201x512xf32, #tpu.memory_space<any>>) target(%dma_start3A_7 : memref<1201x512xf32, #tpu.memory_space<vmem>>) target_semaphore(%dma_start3A_3 : memref<!tpu.dma_semaphore, #tpu.memory_space<semaphore_mem>>)
    %dma_start3A_12 = arith.constant 1 : i32
    %dma_start3A_13 = arith.constant 1 : i32
    %dma_start3A_14 = arith.constant 1 : i32
    %dma_start3A_15 = tpu.memref_slice %arg8[%dma_start3A_14] : memref<4x!tpu.dma_semaphore, #tpu.memory_space<semaphore_mem>> -> memref<1x!tpu.dma_semaphore, #tpu.memory_space<semaphore_mem>>
    %dma_start3A_16 = tpu.memref_squeeze %dma_start3A_15 : memref<1x!tpu.dma_semaphore, #tpu.memory_space<semaphore_mem>> -> memref<!tpu.dma_semaphore, #tpu.memory_space<semaphore_mem>>
    %dma_start3A_17 = arith.constant 0 : i32
    %dma_start3A_18 = arith.constant 0 : i32
    %dma_start3A_19 = tpu.memref_slice %arg5[%dma_start3A_13, %dma_start3A_17, %dma_start3A_18] : memref<4x1201x512xf32, #tpu.memory_space<vmem>> -> memref<1x1201x512xf32, #tpu.memory_space<vmem>>
    %dma_start3A_20 = tpu.memref_squeeze %dma_start3A_19 : memref<1x1201x512xf32, #tpu.memory_space<vmem>> -> memref<1201x512xf32, #tpu.memory_space<vmem>>
    %dma_start3A_21 = arith.constant 0 : i32
    %dma_start3A_22 = arith.constant 0 : i32
    %dma_start3A_23 = tpu.memref_slice %arg0[%dma_start3A_12, %dma_start3A_21, %dma_start3A_22] : memref<32x1201x512xf32, #tpu.memory_space<any>> -> memref<1x1201x512xf32, #tpu.memory_space<any>>
    %dma_start3A_24 = tpu.memref_squeeze %dma_start3A_23 : memref<1x1201x512xf32, #tpu.memory_space<any>> -> memref<1201x512xf32, #tpu.memory_space<any>>
    tpu.enqueue_dma source(%dma_start3A_24 : memref<1201x512xf32, #tpu.memory_space<any>>) target(%dma_start3A_20 : memref<1201x512xf32, #tpu.memory_space<vmem>>) target_semaphore(%dma_start3A_16 : memref<!tpu.dma_semaphore, #tpu.memory_space<semaphore_mem>>)
    %dma_start3A_25 = arith.constant 2 : i32
    %dma_start3A_26 = arith.constant 2 : i32
    %dma_start3A_27 = arith.constant 2 : i32
    %dma_start3A_28 = tpu.memref_slice %arg8[%dma_start3A_27] : memref<4x!tpu.dma_semaphore, #tpu.memory_space<semaphore_mem>> -> memref<1x!tpu.dma_semaphore, #tpu.memory_space<semaphore_mem>>
    %dma_start3A_29 = tpu.memref_squeeze %dma_start3A_28 : memref<1x!tpu.dma_semaphore, #tpu.memory_space<semaphore_mem>> -> memref<!tpu.dma_semaphore, #tpu.memory_space<semaphore_mem>>
    %dma_start3A_30 = arith.constant 0 : i32
    %dma_start3A_31 = arith.constant 0 : i32
    %dma_start3A_32 = tpu.memref_slice %arg5[%dma_start3A_26, %dma_start3A_30, %dma_start3A_31] : memref<4x1201x512xf32, #tpu.memory_space<vmem>> -> memref<1x1201x512xf32, #tpu.memory_space<vmem>>
    %dma_start3A_33 = tpu.memref_squeeze %dma_start3A_32 : memref<1x1201x512xf32, #tpu.memory_space<vmem>> -> memref<1201x512xf32, #tpu.memory_space<vmem>>
    %dma_start3A_34 = arith.constant 0 : i32
    %dma_start3A_35 = arith.constant 0 : i32
    %dma_start3A_36 = tpu.memref_slice %arg0[%dma_start3A_25, %dma_start3A_34, %dma_start3A_35] : memref<32x1201x512xf32, #tpu.memory_space<any>> -> memref<1x1201x512xf32, #tpu.memory_space<any>>
    %dma_start3A_37 = tpu.memref_squeeze %dma_start3A_36 : memref<1x1201x512xf32, #tpu.memory_space<any>> -> memref<1201x512xf32, #tpu.memory_space<any>>
    tpu.enqueue_dma source(%dma_start3A_37 : memref<1201x512xf32, #tpu.memory_space<any>>) target(%dma_start3A_33 : memref<1201x512xf32, #tpu.memory_space<vmem>>) target_semaphore(%dma_start3A_29 : memref<!tpu.dma_semaphore, #tpu.memory_space<semaphore_mem>>)
    %dma_start3A_38 = arith.constant 3 : i32
    %dma_start3A_39 = arith.constant 3 : i32
    %dma_start3A_40 = arith.constant 3 : i32
    %dma_start3A_41 = tpu.memref_slice %arg8[%dma_start3A_40] : memref<4x!tpu.dma_semaphore, #tpu.memory_space<semaphore_mem>> -> memref<1x!tpu.dma_semaphore, #tpu.memory_space<semaphore_mem>>
    %dma_start3A_42 = tpu.memref_squeeze %dma_start3A_41 : memref<1x!tpu.dma_semaphore, #tpu.memory_space<semaphore_mem>> -> memref<!tpu.dma_semaphore, #tpu.memory_space<semaphore_mem>>
    %dma_start3A_43 = arith.constant 0 : i32
    %dma_start3A_44 = arith.constant 0 : i32
    %dma_start3A_45 = tpu.memref_slice %arg5[%dma_start3A_39, %dma_start3A_43, %dma_start3A_44] : memref<4x1201x512xf32, #tpu.memory_space<vmem>> -> memref<1x1201x512xf32, #tpu.memory_space<vmem>>
    %dma_start3A_46 = tpu.memref_squeeze %dma_start3A_45 : memref<1x1201x512xf32, #tpu.memory_space<vmem>> -> memref<1201x512xf32, #tpu.memory_space<vmem>>
    %dma_start3A_47 = arith.constant 0 : i32
    %dma_start3A_48 = arith.constant 0 : i32
    %dma_start3A_49 = tpu.memref_slice %arg0[%dma_start3A_38, %dma_start3A_47, %dma_start3A_48] : memref<32x1201x512xf32, #tpu.memory_space<any>> -> memref<1x1201x512xf32, #tpu.memory_space<any>>
    %dma_start3A_50 = tpu.memref_squeeze %dma_start3A_49 : memref<1x1201x512xf32, #tpu.memory_space<any>> -> memref<1201x512xf32, #tpu.memory_space<any>>
    tpu.enqueue_dma source(%dma_start3A_50 : memref<1201x512xf32, #tpu.memory_space<any>>) target(%dma_start3A_46 : memref<1201x512xf32, #tpu.memory_space<vmem>>) target_semaphore(%dma_start3A_42 : memref<!tpu.dma_semaphore, #tpu.memory_space<semaphore_mem>>)
    tpu.wait_dma2 semaphore(%arg10 : memref<!tpu.dma_semaphore, #tpu.memory_space<semaphore_mem>>) src(%arg1 : memref<1280x512xf32, #tpu.memory_space<any>>) dst(%arg7 : memref<1280x512xf32, #tpu.memory_space<vmem>>)
    %get3A = arith.constant 0 : index
    %get3A_51 = arith.constant 0 : index
    %get3A_52 = vector.load %arg2[%get3A, %get3A_51] : memref<1x512xf32, #tpu.memory_space<vmem>>, vector<1x512xf32>
    %get3A_53 = arith.constant 0 : index
    %get3A_54 = arith.constant 0 : index
    %get3A_55 = vector.load %arg3[%get3A_53, %get3A_54] : memref<1x512xf32, #tpu.memory_space<vmem>>, vector<1x512xf32>
    %get3A_56 = arith.constant 0 : index
    %get3A_57 = arith.constant 0 : index
    %get3A_58 = vector.load %arg7[%get3A_56, %get3A_57] : memref<1280x512xf32, #tpu.memory_space<vmem>>, vector<1280x512xf32>
    %slice3A = vector.extract_strided_slice %get3A_58 {offsets = [0, 0], sizes = [1201, 512], strides = [1, 1]} : vector<1280x512xf32> to vector<1201x512xf32>
    %scan3A = arith.constant 0 : i32
    %scan3A_59 = arith.constant 32 : i32
    %scan3A_60 = arith.addi %scan3A, %scan3A_59 : i32
    %scan3A_61 = arith.constant 1 : i32
    scf.for %scan3A_114 = %scan3A to %scan3A_60 step %scan3A_61  : i32 {
      %rem3A = arith.constant 4 : i32
      %rem3A_115 = arith.remsi %scan3A_114, %rem3A : i32
      %dma_wait3A_116 = tpu.memref_slice %arg8[%rem3A_115] : memref<4x!tpu.dma_semaphore, #tpu.memory_space<semaphore_mem>> -> memref<1x!tpu.dma_semaphore, #tpu.memory_space<semaphore_mem>>
      %dma_wait3A_117 = tpu.memref_squeeze %dma_wait3A_116 : memref<1x!tpu.dma_semaphore, #tpu.memory_space<semaphore_mem>> -> memref<!tpu.dma_semaphore, #tpu.memory_space<semaphore_mem>>
      %dma_wait3A_118 = arith.constant 0 : i32
      %dma_wait3A_119 = arith.constant 0 : i32
      %dma_wait3A_120 = tpu.memref_slice %arg5[%rem3A_115, %dma_wait3A_118, %dma_wait3A_119] : memref<4x1201x512xf32, #tpu.memory_space<vmem>> -> memref<1x1201x512xf32, #tpu.memory_space<vmem>>
      %dma_wait3A_121 = tpu.memref_squeeze %dma_wait3A_120 : memref<1x1201x512xf32, #tpu.memory_space<vmem>> -> memref<1201x512xf32, #tpu.memory_space<vmem>>
      %dma_wait3A_122 = arith.constant 0 : i32
      %dma_wait3A_123 = arith.constant 0 : i32
      %dma_wait3A_124 = tpu.memref_slice %arg0[%scan3A_114, %dma_wait3A_122, %dma_wait3A_123] : memref<32x1201x512xf32, #tpu.memory_space<any>> -> memref<1x1201x512xf32, #tpu.memory_space<any>>
      %dma_wait3A_125 = tpu.memref_squeeze %dma_wait3A_124 : memref<1x1201x512xf32, #tpu.memory_space<any>> -> memref<1201x512xf32, #tpu.memory_space<any>>
      tpu.wait_dma2 semaphore(%dma_wait3A_117 : memref<!tpu.dma_semaphore, #tpu.memory_space<semaphore_mem>>) src(%dma_wait3A_125 : memref<1201x512xf32, #tpu.memory_space<any>>) dst(%dma_wait3A_121 : memref<1201x512xf32, #tpu.memory_space<vmem>>)
      %ge3A = arith.constant 4 : i32
      %ge3A_126 = arith.cmpi sge, %scan3A_114, %ge3A : i32
      %convert_element_type3A = arith.extui %ge3A_126 : i1 to i32
      %cond3A = arith.constant 0 : i32
      %cond3A_127 = arith.cmpi ne, %convert_element_type3A, %cond3A : i32
      scf.if %cond3A_127 {
        %dma_wait3A_173 = tpu.memref_slice %arg9[%rem3A_115] : memref<4x!tpu.dma_semaphore, #tpu.memory_space<semaphore_mem>> -> memref<1x!tpu.dma_semaphore, #tpu.memory_space<semaphore_mem>>
        %dma_wait3A_174 = tpu.memref_squeeze %dma_wait3A_173 : memref<1x!tpu.dma_semaphore, #tpu.memory_space<semaphore_mem>> -> memref<!tpu.dma_semaphore, #tpu.memory_space<semaphore_mem>>
        %dma_wait3A_175 = arith.constant 0 : i32
        %dma_wait3A_176 = arith.constant 0 : i32
        %dma_wait3A_177 = tpu.memref_slice %arg4[%scan3A_114, %dma_wait3A_175, %dma_wait3A_176] : memref<32x1201x512xf32, #tpu.memory_space<any>> -> memref<1x1201x512xf32, #tpu.memory_space<any>>
        %dma_wait3A_178 = tpu.memref_squeeze %dma_wait3A_177 : memref<1x1201x512xf32, #tpu.memory_space<any>> -> memref<1201x512xf32, #tpu.memory_space<any>>
        %dma_wait3A_179 = arith.constant 0 : i32
        %dma_wait3A_180 = arith.constant 0 : i32
        %dma_wait3A_181 = tpu.memref_slice %arg6[%rem3A_115, %dma_wait3A_179, %dma_wait3A_180] : memref<4x1201x512xf32, #tpu.memory_space<vmem>> -> memref<1x1201x512xf32, #tpu.memory_space<vmem>>
        %dma_wait3A_182 = tpu.memref_squeeze %dma_wait3A_181 : memref<1x1201x512xf32, #tpu.memory_space<vmem>> -> memref<1201x512xf32, #tpu.memory_space<vmem>>
        tpu.wait_dma2 semaphore(%dma_wait3A_174 : memref<!tpu.dma_semaphore, #tpu.memory_space<semaphore_mem>>) src(%dma_wait3A_182 : memref<1201x512xf32, #tpu.memory_space<vmem>>) dst(%dma_wait3A_178 : memref<1201x512xf32, #tpu.memory_space<any>>)
      } else {
      }
      %get3A_128 = arith.index_cast %rem3A_115 : i32 to index
      %get3A_129 = arith.constant 0 : index
      %get3A_130 = arith.constant 0 : index
      %get3A_131 = vector.load %arg5[%get3A_128, %get3A_129, %get3A_130] : memref<4x1201x512xf32, #tpu.memory_space<vmem>>, vector<1x1201x512xf32>
      %get3A_132 = vector.shape_cast %get3A_131 : vector<1x1201x512xf32> to vector<1201x512xf32>
      %add3A = arith.addf %get3A_132, %slice3A : vector<1201x512xf32>
      %reduce_sum3A = arith.constant dense<0.000000e+00> : vector<1201xf32>
      %reduce_sum3A_133 = vector.multi_reduction <add>, %add3A, %reduce_sum3A [1] : vector<1201x512xf32> to vector<1201xf32>
      %broadcast_in_dim3A = vector.shape_cast %reduce_sum3A_133 : vector<1201xf32> to vector<1201x1xf32>
      %div3A = arith.constant 5.120000e+02 : f32
      %div3A_134 = vector.broadcast %div3A : f32 to vector<1201x1xf32>
      %div3A_135 = arith.divf %broadcast_in_dim3A, %div3A_134 : vector<1201x1xf32>
      %sub3A = vector.broadcast %div3A_135 : vector<1201x1xf32> to vector<1201x512xf32>
      %sub3A_136 = arith.subf %add3A, %sub3A : vector<1201x512xf32>
      %mul3A = arith.mulf %sub3A_136, %sub3A_136 : vector<1201x512xf32>
      %reduce_sum3A_137 = arith.constant dense<0.000000e+00> : vector<1201xf32>
      %reduce_sum3A_138 = vector.multi_reduction <add>, %mul3A, %reduce_sum3A_137 [1] : vector<1201x512xf32> to vector<1201xf32>
      %broadcast_in_dim3A_139 = vector.shape_cast %reduce_sum3A_138 : vector<1201xf32> to vector<1201x1xf32>
      %div3A_140 = arith.constant 5.120000e+02 : f32
      %div3A_141 = vector.broadcast %div3A_140 : f32 to vector<1201x1xf32>
      %div3A_142 = arith.divf %broadcast_in_dim3A_139, %div3A_141 : vector<1201x1xf32>
      %add3A_143 = arith.constant 9.99999996E-13 : f32
      %add3A_144 = vector.broadcast %add3A_143 : f32 to vector<1201x1xf32>
      %add3A_145 = arith.addf %div3A_142, %add3A_144 : vector<1201x1xf32>
      %rsqrt3A = math.rsqrt %add3A_145 : vector<1201x1xf32>
      %mul3A_146 = vector.broadcast %rsqrt3A : vector<1201x1xf32> to vector<1201x512xf32>
      %mul3A_147 = arith.mulf %sub3A_136, %mul3A_146 : vector<1201x512xf32>
      %mul3A_148 = vector.broadcast %get3A_52 : vector<1x512xf32> to vector<1201x512xf32>
      %mul3A_149 = arith.mulf %mul3A_147, %mul3A_148 : vector<1201x512xf32>
      %add3A_150 = vector.broadcast %get3A_55 : vector<1x512xf32> to vector<1201x512xf32>
      %add3A_151 = arith.addf %mul3A_149, %add3A_150 : vector<1201x512xf32>
      %swap3A = arith.index_cast %rem3A_115 : i32 to index
      %swap3A_152 = arith.constant 0 : index
      %swap3A_153 = arith.constant 0 : index
      %swap3A_154 = vector.load %arg6[%swap3A, %swap3A_152, %swap3A_153] : memref<4x1201x512xf32, #tpu.memory_space<vmem>>, vector<1x1201x512xf32>
      %swap3A_155 = vector.shape_cast %swap3A_154 : vector<1x1201x512xf32> to vector<1201x512xf32>
      %swap3A_156 = vector.shape_cast %add3A_151 : vector<1201x512xf32> to vector<1x1201x512xf32>
      tpu.vector_store %arg6[%swap3A, %swap3A_152, %swap3A_153], %swap3A_156 {strides = array<i32>} : memref<4x1201x512xf32, #tpu.memory_space<vmem>>, vector<1x1201x512xf32>,
      %dma_start3A_157 = tpu.memref_slice %arg9[%rem3A_115] : memref<4x!tpu.dma_semaphore, #tpu.memory_space<semaphore_mem>> -> memref<1x!tpu.dma_semaphore, #tpu.memory_space<semaphore_mem>>
      %dma_start3A_158 = tpu.memref_squeeze %dma_start3A_157 : memref<1x!tpu.dma_semaphore, #tpu.memory_space<semaphore_mem>> -> memref<!tpu.dma_semaphore, #tpu.memory_space<semaphore_mem>>
      %dma_start3A_159 = arith.constant 0 : i32
      %dma_start3A_160 = arith.constant 0 : i32
      %dma_start3A_161 = tpu.memref_slice %arg4[%scan3A_114, %dma_start3A_159, %dma_start3A_160] : memref<32x1201x512xf32, #tpu.memory_space<any>> -> memref<1x1201x512xf32, #tpu.memory_space<any>>
      %dma_start3A_162 = tpu.memref_squeeze %dma_start3A_161 : memref<1x1201x512xf32, #tpu.memory_space<any>> -> memref<1201x512xf32, #tpu.memory_space<any>>
      %dma_start3A_163 = arith.constant 0 : i32
      %dma_start3A_164 = arith.constant 0 : i32
      %dma_start3A_165 = tpu.memref_slice %arg6[%rem3A_115, %dma_start3A_163, %dma_start3A_164] : memref<4x1201x512xf32, #tpu.memory_space<vmem>> -> memref<1x1201x512xf32, #tpu.memory_space<vmem>>
      %dma_start3A_166 = tpu.memref_squeeze %dma_start3A_165 : memref<1x1201x512xf32, #tpu.memory_space<vmem>> -> memref<1201x512xf32, #tpu.memory_space<vmem>>
      tpu.enqueue_dma source(%dma_start3A_166 : memref<1201x512xf32, #tpu.memory_space<vmem>>) target(%dma_start3A_162 : memref<1201x512xf32, #tpu.memory_space<any>>) target_semaphore(%dma_start3A_158 : memref<!tpu.dma_semaphore, #tpu.memory_space<semaphore_mem>>)
      %add3A_167 = arith.constant 4 : i32
      %add3A_168 = arith.addi %scan3A_114, %add3A_167 : i32
      %lt3A = arith.constant 32 : i32
      %lt3A_169 = arith.cmpi slt, %add3A_168, %lt3A : i32
      %convert_element_type3A_170 = arith.extui %lt3A_169 : i1 to i32
      %cond3A_171 = arith.constant 0 : i32
      %cond3A_172 = arith.cmpi ne, %convert_element_type3A_170, %cond3A_171 : i32
      scf.if %cond3A_172 {
        %add3A_173 = arith.constant 4 : i32
        %add3A_174 = arith.addi %scan3A_114, %add3A_173 : i32
        %dma_start3A_175 = tpu.memref_slice %arg8[%rem3A_115] : memref<4x!tpu.dma_semaphore, #tpu.memory_space<semaphore_mem>> -> memref<1x!tpu.dma_semaphore, #tpu.memory_space<semaphore_mem>>
        %dma_start3A_176 = tpu.memref_squeeze %dma_start3A_175 : memref<1x!tpu.dma_semaphore, #tpu.memory_space<semaphore_mem>> -> memref<!tpu.dma_semaphore, #tpu.memory_space<semaphore_mem>>
        %dma_start3A_177 = arith.constant 0 : i32
        %dma_start3A_178 = arith.constant 0 : i32
        %dma_start3A_179 = tpu.memref_slice %arg5[%rem3A_115, %dma_start3A_177, %dma_start3A_178] : memref<4x1201x512xf32, #tpu.memory_space<vmem>> -> memref<1x1201x512xf32, #tpu.memory_space<vmem>>
        %dma_start3A_180 = tpu.memref_squeeze %dma_start3A_179 : memref<1x1201x512xf32, #tpu.memory_space<vmem>> -> memref<1201x512xf32, #tpu.memory_space<vmem>>
        %dma_start3A_181 = arith.constant 0 : i32
        %dma_start3A_182 = arith.constant 0 : i32
        %dma_start3A_183 = tpu.memref_slice %arg0[%add3A_174, %dma_start3A_181, %dma_start3A_182] : memref<32x1201x512xf32, #tpu.memory_space<any>> -> memref<1x1201x512xf32, #tpu.memory_space<any>>
        %dma_start3A_184 = tpu.memref_squeeze %dma_start3A_183 : memref<1x1201x512xf32, #tpu.memory_space<any>> -> memref<1201x512xf32, #tpu.memory_space<any>>
        tpu.enqueue_dma source(%dma_start3A_184 : memref<1201x512xf32, #tpu.memory_space<any>>) target(%dma_start3A_180 : memref<1201x512xf32, #tpu.memory_space<vmem>>) target_semaphore(%dma_start3A_176 : memref<!tpu.dma_semaphore, #tpu.memory_space<semaphore_mem>>)
      } else {
      }
    }
    %scan3A_62 = arith.constant 32 : i32
    %dma_wait3A = arith.constant 0 : i32
    %dma_wait3A_63 = arith.constant 28 : i32
    %dma_wait3A_64 = arith.constant 0 : i32
    %dma_wait3A_65 = tpu.memref_slice %arg9[%dma_wait3A_64] : memref<4x!tpu.dma_semaphore, #tpu.memory_space<semaphore_mem>> -> memref<1x!tpu.dma_semaphore, #tpu.memory_space<semaphore_mem>>
    %dma_wait3A_66 = tpu.memref_squeeze %dma_wait3A_65 : memref<1x!tpu.dma_semaphore, #tpu.memory_space<semaphore_mem>> -> memref<!tpu.dma_semaphore, #tpu.memory_space<semaphore_mem>>
    %dma_wait3A_67 = arith.constant 0 : i32
    %dma_wait3A_68 = arith.constant 0 : i32
    %dma_wait3A_69 = tpu.memref_slice %arg4[%dma_wait3A_63, %dma_wait3A_67, %dma_wait3A_68] : memref<32x1201x512xf32, #tpu.memory_space<any>> -> memref<1x1201x512xf32, #tpu.memory_space<any>>
    %dma_wait3A_70 = tpu.memref_squeeze %dma_wait3A_69 : memref<1x1201x512xf32, #tpu.memory_space<any>> -> memref<1201x512xf32, #tpu.memory_space<any>>
    %dma_wait3A_71 = arith.constant 0 : i32
    %dma_wait3A_72 = arith.constant 0 : i32
    %dma_wait3A_73 = tpu.memref_slice %arg6[%dma_wait3A, %dma_wait3A_71, %dma_wait3A_72] : memref<4x1201x512xf32, #tpu.memory_space<vmem>> -> memref<1x1201x512xf32, #tpu.memory_space<vmem>>
    %dma_wait3A_74 = tpu.memref_squeeze %dma_wait3A_73 : memref<1x1201x512xf32, #tpu.memory_space<vmem>> -> memref<1201x512xf32, #tpu.memory_space<vmem>>
    tpu.wait_dma2 semaphore(%dma_wait3A_66 : memref<!tpu.dma_semaphore, #tpu.memory_space<semaphore_mem>>) src(%dma_wait3A_74 : memref<1201x512xf32, #tpu.memory_space<vmem>>) dst(%dma_wait3A_70 : memref<1201x512xf32, #tpu.memory_space<any>>)
    %dma_wait3A_75 = arith.constant 1 : i32
    %dma_wait3A_76 = arith.constant 29 : i32
    %dma_wait3A_77 = arith.constant 1 : i32
    %dma_wait3A_78 = tpu.memref_slice %arg9[%dma_wait3A_77] : memref<4x!tpu.dma_semaphore, #tpu.memory_space<semaphore_mem>> -> memref<1x!tpu.dma_semaphore, #tpu.memory_space<semaphore_mem>>
    %dma_wait3A_79 = tpu.memref_squeeze %dma_wait3A_78 : memref<1x!tpu.dma_semaphore, #tpu.memory_space<semaphore_mem>> -> memref<!tpu.dma_semaphore, #tpu.memory_space<semaphore_mem>>
    %dma_wait3A_80 = arith.constant 0 : i32
    %dma_wait3A_81 = arith.constant 0 : i32
    %dma_wait3A_82 = tpu.memref_slice %arg4[%dma_wait3A_76, %dma_wait3A_80, %dma_wait3A_81] : memref<32x1201x512xf32, #tpu.memory_space<any>> -> memref<1x1201x512xf32, #tpu.memory_space<any>>
    %dma_wait3A_83 = tpu.memref_squeeze %dma_wait3A_82 : memref<1x1201x512xf32, #tpu.memory_space<any>> -> memref<1201x512xf32, #tpu.memory_space<any>>
    %dma_wait3A_84 = arith.constant 0 : i32
    %dma_wait3A_85 = arith.constant 0 : i32
    %dma_wait3A_86 = tpu.memref_slice %arg6[%dma_wait3A_75, %dma_wait3A_84, %dma_wait3A_85] : memref<4x1201x512xf32, #tpu.memory_space<vmem>> -> memref<1x1201x512xf32, #tpu.memory_space<vmem>>
    %dma_wait3A_87 = tpu.memref_squeeze %dma_wait3A_86 : memref<1x1201x512xf32, #tpu.memory_space<vmem>> -> memref<1201x512xf32, #tpu.memory_space<vmem>>
    tpu.wait_dma2 semaphore(%dma_wait3A_79 : memref<!tpu.dma_semaphore, #tpu.memory_space<semaphore_mem>>) src(%dma_wait3A_87 : memref<1201x512xf32, #tpu.memory_space<vmem>>) dst(%dma_wait3A_83 : memref<1201x512xf32, #tpu.memory_space<any>>)
    %dma_wait3A_88 = arith.constant 2 : i32
    %dma_wait3A_89 = arith.constant 30 : i32
    %dma_wait3A_90 = arith.constant 2 : i32
    %dma_wait3A_91 = tpu.memref_slice %arg9[%dma_wait3A_90] : memref<4x!tpu.dma_semaphore, #tpu.memory_space<semaphore_mem>> -> memref<1x!tpu.dma_semaphore, #tpu.memory_space<semaphore_mem>>
    %dma_wait3A_92 = tpu.memref_squeeze %dma_wait3A_91 : memref<1x!tpu.dma_semaphore, #tpu.memory_space<semaphore_mem>> -> memref<!tpu.dma_semaphore, #tpu.memory_space<semaphore_mem>>
    %dma_wait3A_93 = arith.constant 0 : i32
    %dma_wait3A_94 = arith.constant 0 : i32
    %dma_wait3A_95 = tpu.memref_slice %arg4[%dma_wait3A_89, %dma_wait3A_93, %dma_wait3A_94] : memref<32x1201x512xf32, #tpu.memory_space<any>> -> memref<1x1201x512xf32, #tpu.memory_space<any>>
    %dma_wait3A_96 = tpu.memref_squeeze %dma_wait3A_95 : memref<1x1201x512xf32, #tpu.memory_space<any>> -> memref<1201x512xf32, #tpu.memory_space<any>>
    %dma_wait3A_97 = arith.constant 0 : i32
    %dma_wait3A_98 = arith.constant 0 : i32
    %dma_wait3A_99 = tpu.memref_slice %arg6[%dma_wait3A_88, %dma_wait3A_97, %dma_wait3A_98] : memref<4x1201x512xf32, #tpu.memory_space<vmem>> -> memref<1x1201x512xf32, #tpu.memory_space<vmem>>
    %dma_wait3A_100 = tpu.memref_squeeze %dma_wait3A_99 : memref<1x1201x512xf32, #tpu.memory_space<vmem>> -> memref<1201x512xf32, #tpu.memory_space<vmem>>
    tpu.wait_dma2 semaphore(%dma_wait3A_92 : memref<!tpu.dma_semaphore, #tpu.memory_space<semaphore_mem>>) src(%dma_wait3A_100 : memref<1201x512xf32, #tpu.memory_space<vmem>>) dst(%dma_wait3A_96 : memref<1201x512xf32, #tpu.memory_space<any>>)
    %dma_wait3A_101 = arith.constant 3 : i32
    %dma_wait3A_102 = arith.constant 31 : i32
    %dma_wait3A_103 = arith.constant 3 : i32
    %dma_wait3A_104 = tpu.memref_slice %arg9[%dma_wait3A_103] : memref<4x!tpu.dma_semaphore, #tpu.memory_space<semaphore_mem>> -> memref<1x!tpu.dma_semaphore, #tpu.memory_space<semaphore_mem>>
    %dma_wait3A_105 = tpu.memref_squeeze %dma_wait3A_104 : memref<1x!tpu.dma_semaphore, #tpu.memory_space<semaphore_mem>> -> memref<!tpu.dma_semaphore, #tpu.memory_space<semaphore_mem>>
    %dma_wait3A_106 = arith.constant 0 : i32
    %dma_wait3A_107 = arith.constant 0 : i32
    %dma_wait3A_108 = tpu.memref_slice %arg4[%dma_wait3A_102, %dma_wait3A_106, %dma_wait3A_107] : memref<32x1201x512xf32, #tpu.memory_space<any>> -> memref<1x1201x512xf32, #tpu.memory_space<any>>
    %dma_wait3A_109 = tpu.memref_squeeze %dma_wait3A_108 : memref<1x1201x512xf32, #tpu.memory_space<any>> -> memref<1201x512xf32, #tpu.memory_space<any>>
    %dma_wait3A_110 = arith.constant 0 : i32
    %dma_wait3A_111 = arith.constant 0 : i32
    %dma_wait3A_112 = tpu.memref_slice %arg6[%dma_wait3A_101, %dma_wait3A_110, %dma_wait3A_111] : memref<4x1201x512xf32, #tpu.memory_space<vmem>> -> memref<1x1201x512xf32, #tpu.memory_space<vmem>>
    %dma_wait3A_113 = tpu.memref_squeeze %dma_wait3A_112 : memref<1x1201x512xf32, #tpu.memory_space<vmem>> -> memref<1201x512xf32, #tpu.memory_space<vmem>>
    tpu.wait_dma2 semaphore(%dma_wait3A_105 : memref<!tpu.dma_semaphore, #tpu.memory_space<semaphore_mem>>) src(%dma_wait3A_113 : memref<1201x512xf32, #tpu.memory_space<vmem>>) dst(%dma_wait3A_109 : memref<1201x512xf32, #tpu.memory_space<any>>)
    return
  }
}

</mosaic_0001>

<sc_bundles>
// kernel: kernel.4.cloned.1.call-start
scs
__scs_entry_jumppad:
0x0: {  	(pc) =	sbr.rel $0x88, $3  }
0x1: {  	(tag) =	ssettag $0x0;
	lr =	simm.s32 $0x1  }
0x2: {  	[smem:$0x3F9B] =	sst lr;
	_ =	strace $0xD0000000  }
0x3: {  	_ = 	snop  }
0x4: {  	_ = 	snop  }
0x5: {  	_ = 	snop  }
0x6: {  	_ = 	snop  }
0x7: {  	_ = 	snop  }
__scs_overlays_trampoline_lowered:
0x8: {  	[smem:$0x3FAA] =	sst s0  }
0x9: {  	[smem:$0x3FAB] =	sst s1  }
0xa: {  	[smem:$0x3FAC] =	sst s2  }
0xb: {  	[smem:$0x3FAD] =	sst s3  }
0xc: {  	[smem:$0x3FAE] =	sst s4  }
0xd: {  	[smem:$0x3FAF] =	sst s5  }
0xe: {  	[smem:$0x3FB0] =	sst s6  }
0xf: {  	[smem:$0x3FB1] =	sst s7  }
0x10: {  	[smem:$0x3FB2] =	sst s8  }
0x11: {  	[smem:$0x3FB3] =	sst s9;
	s0 =	simm.s32 @!p0 $0x0  }
0x12: {  	s1 =	sld [smem:$0x3F99];
	s0 =	simm.s32 @p0 $0x1  }
0x13: {  	[smem:$0x3FB4] =	sst s0;
	s0 =	simm.s32 @!p1 $0x0  }
0x14: {  	s2 =	sld [smem:$0x3F98];
	s0 =	simm.s32 @p1 $0x1  }
0x15: {  	[smem:$0x3FB5] =	sst s0;
	s0 =	simm.s32 @!p2 $0x0  }
0x16: {  	s3 =	sld [smem:$0x3FDB];
	s0 =	simm.s32 @p2 $0x1  }
0x17: {  	s4 =	simm.s32 $0x1BF5;
	[smem:$0x3FB7] =	sst s0  }
0x18: {  	s0 =	sld [smem:$0x3F9A];
	_ =	swait.ge [sflag:s4], $0x0  }
0x19: {  	s7 =	sld [smem:$0x3F9B]  }
0x1a: {  	s8 =	sadd.s32 $0xFFFFE003, lr  }
0x1b: {  	s9 =	sadd.s32 $0xFFFFFEF7, lr;
	s5 =	simm.s32 $0xFFFFFFFF;
	p2 =	slt.u32 s8, $0xFFFFF086  }
0x1c: {  	p1 =	slt.u32 s9, $0xF7A;
	s5 =	simm.s32 @!p2 $0x0  }
0x1d: {  	s5 =	simm.s32 @p1 $0x1;
	p0 =	seq.s32 s7, s2  }
0x1e: {  	s7 =	smul.u32 @!p0 $0xF7A, s2;
	p2 =	seq.s32 @!p0 s5, $0x0  }
0x1f: {  	s9 =	smul.u32 $0xF7A, s1;
	s8 =	simm.s32 @!p0 $0x1BF5;
	p2 =	por !p2, p0  }
0x20: {  	[sflag:s8] =	ssyncset.s32 @!p0 $0xFFFFF086;
	s6 =	sadd.s32 @!p0 s3, s7;
	s7 =	simm.s32 @!p0 $0x108  }
0x21: {  	s3 =	sadd.s32 s3, s9;
	s6 =	sadd.s32 @!p0 $0x88, s6;
	s7 =	simm.s32 @p2 $0x1082  }
0x22: {  	[simem:s7], [sflag:s8] =	dma.local @!p0 [hbm:s6], $0xF7A  }
0x23: {  	s9 =	sor.u32 $0xD0000000, s2;
	s6 =	simm.s32 $0x108;
	_ =	swait.ge @!p0 [sflag:s8], $0x0  }
0x24: {  	s3 =	sadd.s32 $0x88, s3;
	s6 =	simm.s32 @!p1 $0x1082;
	[sflag:s4] =	ssyncset.s32 $0xFFFFF086  }
0x25: {  	[simem:s6], [sflag:s4] =	dma.local [hbm:s3], $0xF7A  }
0x26: {  	[smem:$0x3F9B] =	sst s1;
	(tag) =	ssettag s2;
	_ =	strace s9  }
0x27: {  	s1 =	sld [smem:$0x3FAB]  }
0x28: {  	s2 =	sld [smem:$0x3FAC]  }
0x29: {  	s4 =	sld [smem:$0x3FAE]  }
0x2a: {  	p0 =	seq.s32 s5, $0x0;
	s5 =	sld [smem:$0x3FAF]  }
0x2b: {  	s6 =	sld [smem:$0x3FB0]  }
0x2c: {  	s7 =	sld [smem:$0x3FB1]  }
0x2d: {  	s3 =	simm.s32 $0x108;
	s8 =	sld [smem:$0x3FB2]  }
0x2e: {  	s3 =	simm.s32 @!p0 $0x1082;
	s9 =	sld [smem:$0x3FB3]  }
0x2f: {  	lr =	sadd.s32 s0, s3;
	s0 =	sld [smem:$0x3FAA]  }
0x30: {  	s3 =	sld [smem:$0x3FAD]  }
0x31: {  	[smem:$0x3FB6] =	sst s10  }
0x32: {  	s10 =	sld [smem:$0x3FB4];
	_ =	sdelay $0x3  }
0x33: {  	p0 =	seq.s32 s10, $0x1;
	s10 =	sld [smem:$0x3FB6];
	_ =	sdelay $0x3  }
0x34: {  	[smem:$0x3FB6] =	sst s10  }
0x35: {  	s10 =	sld [smem:$0x3FB5];
	_ =	sdelay $0x3  }
0x36: {  	p1 =	seq.s32 s10, $0x1;
	s10 =	sld [smem:$0x3FB6];
	_ =	sdelay $0x3  }
0x37: {  	[smem:$0x3FB6] =	sst s10  }
0x38: {  	s10 =	sld [smem:$0x3FB7]  }
0x39: {  	_ = 	snop;
	(pc) =	sbr.ind lr, $3  }
0x3a: {  	_ = 	snop  }
0x3b: {  	_ = 	snop  }
0x3c: {  	p2 =	seq.s32 s10, $0x1;
	s10 =	sld [smem:$0x3FB6]  }
0x3d: {  	_ =	shalt  }
0x3e: {  	_ =	shalt  }
0x3f: {  	_ =	shalt  }
0x40: {  	_ =	shalt  }
0x41: {  	_ =	shalt  }
0x42: {  	_ =	shalt  }
0x43: {  	_ =	shalt  }
0x44: {  	_ =	shalt  }
0x45: {  	_ =	shalt  }
0x46: {  	_ =	shalt  }
0x47: {  	_ =	shalt  }
0x48: {  	_ =	shalt  }
0x49: {  	_ =	shalt  }
0x4a: {  	_ =	shalt  }
0x4b: {  	_ =	shalt  }
0x4c: {  	_ =	shalt  }
0x4d: {  	_ =	shalt  }
0x4e: {  	_ =	shalt  }
0x4f: {  	_ =	shalt  }
0x50: {  	_ =	shalt  }
0x51: {  	_ =	shalt  }
0x52: {  	_ =	shalt  }
0x53: {  	_ =	shalt  }
0x54: {  	_ =	shalt  }
0x55: {  	_ =	shalt  }
0x56: {  	_ =	shalt  }
0x57: {  	_ =	shalt  }
0x58: {  	_ =	shalt  }
0x59: {  	_ =	shalt  }
0x5a: {  	_ =	shalt  }
0x5b: {  	_ =	shalt  }
0x5c: {  	_ =	shalt  }
0x5d: {  	_ =	shalt  }
0x5e: {  	_ =	shalt  }
0x5f: {  	_ =	shalt  }
0x60: {  	_ =	shalt  }
0x61: {  	_ =	shalt  }
0x62: {  	_ =	shalt  }
0x63: {  	_ =	shalt  }
0x64: {  	_ =	shalt  }
0x65: {  	_ =	shalt  }
0x66: {  	_ =	shalt  }
0x67: {  	_ =	shalt  }
0x68: {  	_ =	shalt  }
0x69: {  	_ =	shalt  }
0x6a: {  	_ =	shalt  }
0x6b: {  	_ =	shalt  }
0x6c: {  	_ =	shalt  }
0x6d: {  	_ =	shalt  }
0x6e: {  	_ =	shalt  }
0x6f: {  	_ =	shalt  }
0x70: {  	_ =	shalt  }
0x71: {  	_ =	shalt  }
0x72: {  	_ =	shalt  }
0x73: {  	_ =	shalt  }
0x74: {  	_ =	shalt  }
0x75: {  	_ =	shalt  }
0x76: {  	_ =	shalt  }
0x77: {  	_ =	shalt  }
0x78: {  	_ =	shalt  }
0x79: {  	_ =	shalt  }
0x7a: {  	_ =	shalt  }
0x7b: {  	_ =	shalt  }
0x7c: {  	_ =	shalt  }
0x7d: {  	_ =	shalt  }
0x7e: {  	_ =	shalt  }
0x7f: {  	_ =	shalt  }
0x80: {  	_ =	shalt  }
0x81: {  	_ =	shalt  }
0x82: {  	_ =	shalt  }
0x83: {  	_ =	shalt  }
0x84: {  	_ =	shalt  }
0x85: {  	_ =	shalt  }
0x86: {  	_ =	shalt  }
0x87: {  	_ =	shalt  }
.Lfunc_end0:
.L_simem_size_0:
called_computation_lowered:
.L_overlay_start_0:
0x88: {  	s2 =	sld [smem:$0x3FD9]  }
0x89: {  	s3 =	sld [smem:$0x3FFE];
	_ =	sdelay $0x1  }
0x8a: {  	s1 =	srdreg.scid  }
0x8b: {  	s0 =	sand.u32 $0x1, s1  }
0x8c: {  	s17 =	sshll.u32 s0, $0xA;
	s2 =	sadd.s32 s3, s2  }
0x8d: {  	s2 =	sadd.s32 s2, s17  }
0x8e: {  	[smem:$0x3FC2] =	sst s2  }
0x8f: {  	_ = 	snop  }
0x90: {  	s2 =	sld [smem:$0x3FD0];
	(tm) =	ssettm $0x1  }
0x91: {  	s18 =	sld [smem:$0x3FFB];
	_ =	sdelay $0x3  }
0x92: {  	_ =	strace s18  }
0x93: {  	s3 =	sld [smem:$0x3FFC];
	_ =	sdelay $0x3  }
0x94: {  	_ =	strace s3  }
0x95: {  	s3 =	sld [smem:$0x3FFD];
	_ =	sdelay $0x3  }
0x96: {  	_ =	strace s3  }
0x97: {  	_ =	strace $0x8FFFFFFF  }
0x98: {  	s19 =	sld [smem:$0x3FDB];
	_ =	sdelay $0x1  }
0x99: {  	s4 =	simm.s32 $_scs_section_size  }
0x9a: {  	s5 =	simm.s32 $_size__tile_overlayer_lowered;
	s6 =	simm.s32 $_tile_overlayer_lowered  }
0x9b: {  	s22 =	simm.s32 $0x1BFF;
	s21 =	sshll.u32 s6, $0x1;
	s3 =	sadd.s32 s4, s19  }
0x9c: {  	s7 =	simm.s32 $0x0;
	s20 =	sshll.u32 s5, $0x1;
	s5 =	sadd.s32 s21, s3  }
0x9d: {  	[timem:s7], [sflag:s22] =	dma.local [hbm:s5], s20  }
0x9e: {  	_ =	swait.ge [sflag:s22], s20  }
0x9f: {  	s4 =	ssub.s32 $0x0, s20;
	[sflag:s22] =	ssyncset.done $0x0  }
0xa0: {  	[sflag:s22] =	ssyncadd.s32 s4;
	_ =	sdelay $0x1  }
0xa1: {  	s23 =	simm.s32 $0x1B8B  }
0xa2: {  	_ =	swait.ge [sflag:s23], $0x1  }
0xa3: {  	[sflag:s23] =	ssyncset.done $0x0  }
0xa4: {  	s25 =	simm.s32 $0x1B8E;
	s24 =	sld [smem:$0x3FFE];
	[sflag:s23] =	ssyncadd.s32 $0xFFFFFFFF  }
0xa5: {  	s26 =	simm.s32 $execute0_lowered;
	[smem:$0x3FD2] =	sst s25  }
0xa6: {  	s5 =	sshll.u32 s26, $0x1;
	_ =	strace $0x80000046;
	[dreg:$0x1] =	wrdreg $0xFFFFFFFF  }
0xa7: {  	s28 =	simm.s32 $_size_execute0_lowered;
	s3 =	sadd.s32 s3, s5;
	[dreg:$0x0] =	wrdreg $0x0  }
0xa8: {  	s5 =	sshll.u32 s28, $0x1;
	[dreg:$0x2] =	wrdreg s3  }
0xa9: {  	[dreg:$0x3] =	wrdreg s5  }
0xaa: {  	[dreg:$0x4] =	wrdreg $0xC0  }
0xab: {  	_ =	task [dreg:s7], $0x5FFFF  }
0xac: {  	[dreg:$0x1] =	wrdreg $0xFFFFFFFF  }
0xad: {  	[dreg:$0x0] =	wrdreg $0x60  }
0xae: {  	[dreg:$0x2] =	wrdreg s2  }
0xaf: {  	[dreg:$0x3] =	wrdreg s24  }
0xb0: {  	[dreg:$0x4] =	wrdreg $0x9  }
0xb1: {  	_ =	task.clear_ibuf [dreg:s7], $0x5FFFF;
	_ =	strace $0x90000046  }
0xb2: {  	s29 =	simm.s32 $0x9;
	_ =	strace $0x80000048  }
0xb3: {  	_ =	swait.ge [sflag:s29], $0x1  }
0xb4: {  	[sflag:s29] =	ssyncadd.s32 $0xFFFFFFFF  }
0xb5: {  	_ =	strace $0x90000048  }
0xb6: {  	_ =	sfence  }
0xb7: {  	s30 =	sld [smem:$0x0];
	_ =	sdelay $0x2  }
0xb8: {  	s31 =	sshll.u32 s1, $0xD;
	s1 =	sshrl.u32 s1, $0x2  }
0xb9: {  	s3 =	sand.u32 $0x4000, s31;
	s1 =	sadd.s32 s1, s30  }
0xba: {  	s0 =	sor.u32 s3, s0;
	s1 =	sshll.u32 s1, $0x11  }
0xbb: {  	s0 =	sor.u32 s1, s0  }
0xbc: {  	s0 =	sadd.s32 $0x8F2B, s0  }
0xbd: {  	[sflag:s0] =	ssyncadd.remote.s32 $0x1  }
0xbe: {  	_ =	sfence.sel $0xFFFF  }
0xbf: {  	[dreg:$0x0] =	wrdreg $0xFFFFFFFF;
	(pc) =	sbr.abs _section_cstart, $3  }
0xc0: {  	[dreg:$0x1] =	wrdreg $0xFFFFFFFF  }
0xc1: {  	_ =	task.clear_ibuf [dreg:s7], $0x2FFFF;
	_ =	strace $0x9FFFFFFF  }
0xc2: {  	(tm) =	ssettm $0x7FFFFFFF  }
0xc3: {  	_ =	shalt  }
tec
execute0_lowered:
.L_overlay_start_1:
0x0: {  	(tag) =	ssettag $0x1  }
0x1: {  	s1 =	srdreg.scid;
	s2 =	rddreg [dreg:$0x0]  }
0x2: {  	s0 =	stileid.u32;
	s5 =	rddreg [dreg:$0x1]  }
0x3: {  	s3 =	simm.s32 $0x0;
	s9 =	simm.s32 $0x80;
	s10 =	simm.s32 $0x880  }
0x4: {  	s11 =	simm.s32 $0x1080;
	s12 =	simm.s32 $0x1880;
	s13 =	simm.s32 $0x2080  }
0x5: {  	s14 =	simm.s32 $0x2880;
	s15 =	simm.s32 $0x3080;
	s16 =	simm.s32 $0x3880  }
0x6: {  	s17 =	simm.s32 $0x4080;
	s4 =	sand.u32 $0x1, s1;
	s31 =	sshll.u32 s0, $0x1  }
0x7: {  	s18 =	simm.s32 $0x4880;
	s19 =	simm.s32 $0x1;
	s6 =	sor.u32 s4, s31  }
0x8: {  	s1 =	rddreg [dreg:$0x2];
	s4 =	ssub.s32 $0x2, s4;
	s7 =	smul.u32 $0x5, s6  }
0x9: {  	[smem:$0x7FF] =	sst s3;
	s6 =	smul.u32 $0xA00, s6;
	s8 =	sshrl.u32 s4, $0x1  }
0xa: {  	v2 =	vlaneseq.u32;
	_ =	strace $0x80000047;
	s8 =	ssub.s32 s4, s8;
	s7 =	sadd.s32 s7, s5  }
0xb: {  	vm0 =	vmmov $0xffff;
	v1 =	vshrl.u32 v2, $0x3;
	s6 =	sadd.s32 s6, s5;
	s5 =	sadd.s32 $0x100, s2;
	s4 =	sadd.s32 $0xA00, s7  }
0xc: {  	v0 =	vand.u32 $0x7, v2;
	v2 =	vor.u32 $0x8, v2;
	v1 =	vmul.u32 $0x8, v1;
	s6 =	sadd.s32 $0xC00, s6;
	s7 =	smax.u32 s8, $0x1;
	s8 =	simm.s32 $0x2  }
.LBB2_1:
0xd: {  	[tilespmem:s3], [sflag:$0x2] =	stream.linear.gather [hbm4b:s4+s3], $0x28, $0x38;
	[tilespmem:$0x5080] =	vst v63  }
0xe: {  	_ =	swait.ge [sflag:s8], $0x28  }
0xf: {  	[sflag:s8] =	ssyncset.done $0x0  }
0x10: {  	[sflag:s8] =	ssyncadd.s32 $0xFFFFFFD8  }
0x11: {  	v3 =	vld [tilespmem:$0x0];
	_ =	sdelay $0x4  }
0x12: {  	v4 =	vshll.u32 v3, $0x2  }
0x13: {  	v3 =	vand.u32 $0x7, v3;
	v4 =	vand.u32 $0xFFFFFFE0, v4  }
0x14: {  	v3 =	vor.u32 v3, v4  }
0x15: {  	v4 =	vperm.xlane v3, v0;
	_ =	sdelay $0x1  }
0x16: {  	v4 =	vadd.s32 v1, v4;
	_ =	sdelay $0x1  }
0x17: {  	v3 =	vperm.xlane v3, v2;
	_ =	sdelay $0x1  }
0x18: {  	v3 =	vadd.s32 v1, v3  }
0x19: {  	[tilespmem:s9], [sflag:$0x1] =	stream.indirect_vreg.gather [hbm4b:s2+s3], $0x80, v4, vm0, $0xb8;
	[tilespmem:$0x5080] =	vst v63  }
0x1a: {  	_ = 	snop  }
0x1b: {  	[tilespmem:s10], [sflag:$0x1] =	stream.indirect_vreg.gather [hbm4b:s5+s3], $0x80, v4, vm0, $0xb8;
	[tilespmem:$0x5080] =	vst v63  }
0x1c: {  	_ = 	snop  }
0x1d: {  	[tilespmem:s11], [sflag:$0x1] =	stream.indirect_vreg.gather [hbm4b:s2+s3], $0x80, v3, vm0, $0xb8;
	[tilespmem:$0x5080] =	vst v63  }
0x1e: {  	_ = 	snop  }
0x1f: {  	[tilespmem:s12], [sflag:$0x1] =	stream.indirect_vreg.gather [hbm4b:s5+s3], $0x80, v3, vm0, $0xb8;
	[tilespmem:$0x5080] =	vst v63  }
0x20: {  	v3 =	vld [tilespmem:$0x10];
	_ =	sdelay $0x4  }
0x21: {  	v62 =	vshll.u32 v3, $0x2  }
0x22: {  	v3 =	vand.u32 $0x7, v3;
	v4 =	vand.u32 $0xFFFFFFE0, v62  }
0x23: {  	v3 =	vor.u32 v3, v4  }
0x24: {  	v4 =	vperm.xlane v3, v0;
	_ =	sdelay $0x1  }
0x25: {  	v4 =	vadd.s32 v1, v4;
	_ =	sdelay $0x1  }
0x26: {  	v3 =	vperm.xlane v3, v2;
	_ =	sdelay $0x1  }
0x27: {  	v3 =	vadd.s32 v1, v3  }
0x28: {  	[tilespmem:s13], [sflag:$0x1] =	stream.indirect_vreg.gather [hbm4b:s2+s3], $0x80, v4, vm0, $0xb8;
	[tilespmem:$0x5080] =	vst v63  }
0x29: {  	_ = 	snop  }
0x2a: {  	[tilespmem:s14], [sflag:$0x1] =	stream.indirect_vreg.gather [hbm4b:s5+s3], $0x80, v4, vm0, $0xb8;
	[tilespmem:$0x5080] =	vst v63  }
0x2b: {  	_ = 	snop  }
0x2c: {  	[tilespmem:s15], [sflag:$0x1] =	stream.indirect_vreg.gather [hbm4b:s2+s3], $0x80, v3, vm0, $0xb8;
	[tilespmem:$0x5080] =	vst v63  }
0x2d: {  	_ = 	snop  }
0x2e: {  	[tilespmem:s16], [sflag:$0x1] =	stream.indirect_vreg.gather [hbm4b:s5+s3], $0x80, v3, vm0, $0xb8;
	[tilespmem:$0x5080] =	vst v63  }
0x2f: {  	v3 =	vld.msk [tilespmem:$0x20], $0xff;
	_ =	sdelay $0x4  }
0x30: {  	v63 =	vshll.u32 v3, $0x2  }
0x31: {  	v3 =	vand.u32 $0x7, v3;
	v4 =	vand.u32 $0xFFFFFFE0, v63  }
0x32: {  	v3 =	vor.u32 v3, v4  }
0x33: {  	v3 =	vperm.xlane v3, v0;
	_ =	sdelay $0x1  }
0x34: {  	v3 =	vadd.s32 v1, v3;
	_ =	sdelay $0x4  }
0x35: {  	[tilespmem:s17], [sflag:$0x1] =	stream.indirect_vreg.gather [hbm4b:s2+s3], $0x80, v3, vm0, $0xb8;
	[tilespmem:$0x5080] =	vst v63  }
0x36: {  	_ = 	snop  }
0x37: {  	[tilespmem:s18], [sflag:$0x1] =	stream.indirect_vreg.gather [hbm4b:s5+s3], $0x80, v3, vm0, $0xb8;
	[tilespmem:$0x5080] =	vst v63  }
0x38: {  	_ =	swait.ge [sflag:s19], $0x5000  }
0x39: {  	p0 =	sne.s32 s7, $0x1;
	[sflag:s19] =	ssyncset.done $0x0  }
.Ltmp0:
0x3a: {  	[sflag:s19] =	ssyncadd.s32 $0xFFFFB000;
	(pc) =	sbr.rel @p0 .LBB2_1-.Ltmp0, $4  }
0x3b: {  	[hbm4b:s6+s3] =	stream.linear.scatter [tilespmem:s9], [sflag:$0x2], $0x5000, $0x38;
	[tilespmem:$0x5080] =	vst v63  }
0x3c: {  	_ =	swait.ge [sflag:s8], $0x5000  }
0x3d: {  	[sflag:s8] =	ssyncset.done $0x0  }
0x3e: {  	s7 =	sadd.s32 $0xFFFFFFFF, s7;
	[sflag:s8] =	ssyncadd.s32 $0xFFFFB000  }
0x3f: {  	_ =	sfence.sel $0x180000  }
0x40: {  	[bflag:$0x0] =	sbarrier.arrive $0xFFFF  }
0x41: {  	p0 =	sne.s32 s0, $0x0;
	_ =	strace $0x90000047  }
0x42: {  	s0 =	sadd.s32 @!p0 $0x100000, s1;
	[bflag:$0x2] =	sbarrier.arrive $0xFFFF  }
0x43: {  	[sflag:s0] =	ssyncadd.tile.s32 @!p0 $0x1;
	_ =	shalt  }
.Lfunc_end2:
_tile_overlayer_lowered:
.L_overlay_start_2:
0x44: {  	(tag) =	ssettag $0x2  }
0x45: {  	s0 =	rddreg [dreg:$0x0];
	s2 =	stileid.u32  }
0x46: {  	s1 =	rddreg [dreg:$0x1];
	p0 =	sne.s32 s2, $0x0  }
0x47: {  	s3 =	rddreg [dreg:$0x2];
	[bflag:$0x3] =	sbarrier.arrive $0xFFFF;
	s2 =	simm.s32 @!p0 $0x1C02  }
0x48: {  	[timem:s3], [sflag:s2] =	dma.local @!p0 [hbm:s0], s1  }
0x49: {  	s0 =	simm.s32 @!p0 $0x2  }
0x4a: {  	_ =	swait.ge @!p0 [sflag:s0], s1  }
0x4b: {  	s1 =	ssub.s32 @!p0 $0x0, s1;
	[sflag:s0] =	ssyncset.done @!p0 $0x0  }
0x4c: {  	[sflag:s0] =	ssyncadd.s32 @!p0 s1  }
0x4d: {  	[bflag:$0x3] =	sbarrier.arrive $0xFFFF  }
0x4e: {  	_ =	shalt  }

</sc_bundles>
